<compile_context>
chip_gen: v7x
topology: tpu7x:2x2x1
jax: 0.10.2.dev20260603
libtpu: 0.0.44.dev20260713+nightly
codegen_flags: <defaults>
</compile_context>

<pallas_src>
import functools

import jax
import jax.numpy as jnp
from jax import lax
from jax.experimental import pallas as pl
from jax.experimental.pallas import tpu as pltpu
from jax.experimental.pallas import tpu_sc as plsc

B = 32
C = 256
A = 1024
T = 128
K = 7
CK = C * K
RPA = 16
ROW_W = (C * T) // RPA
NROWS = B * RPA


def _conv_argmax(x, wf, b2):
    def body(x_ref, w_ref, b_ref, idx_ref, rows_ref):
        xblk = x_ref[0]
        lane = lax.broadcasted_iota(jnp.int32, (C, T), 1)
        parts = [xblk]
        for k in range(1, K):
            sh = pltpu.roll(xblk, T - k, axis=1)
            sh = jnp.where(lane < T - k, sh, jnp.float32(0))
            parts.append(sh)
        xstack = jnp.concatenate(parts, axis=0)
        acc = jnp.dot(w_ref[...], xstack,
                      preferred_element_type=jnp.float32,
                      precision=lax.Precision.HIGHEST)
        val = acc + b_ref[...]
        m = jnp.max(val)
        flat = (lax.broadcasted_iota(jnp.int32, (A, T), 0) * T
                + lax.broadcasted_iota(jnp.int32, (A, T), 1))
        cand = jnp.where(val == m, flat, jnp.int32(2147483647))
        i = pl.program_id(0)
        best = jnp.min(cand)
        idx_ref[i] = best
        ai = best >> 7
        for j in range(RPA):
            rows_ref[i * RPA + j] = ai * RPA + j

    return pl.pallas_call(
        body,
        grid=(B,),
        in_specs=[
            pl.BlockSpec((1, C, T), lambda i: (i, 0, 0)),
            pl.BlockSpec((A, CK), lambda i: (0, 0)),
            pl.BlockSpec((A, 1), lambda i: (0, 0)),
        ],
        out_specs=[
            pl.BlockSpec((B,), lambda i: (0,), memory_space=pltpu.SMEM),
            pl.BlockSpec((NROWS,), lambda i: (0,), memory_space=pltpu.SMEM),
        ],
        out_shape=[
            jax.ShapeDtypeStruct((B,), jnp.int32),
            jax.ShapeDtypeStruct((NROWS,), jnp.int32),
        ],
    )(x, wf, b2)


def _sc_gather(rows, atoms2d):
    info = plsc.get_sparse_core_info()
    nc, ns = info.num_cores, info.num_subcores
    nw = nc * ns
    rpw = NROWS // nw
    mesh = plsc.VectorSubcoreMesh(core_axis_name="c", subcore_axis_name="s")

    @functools.partial(
        pl.kernel,
        mesh=mesh,
        out_type=jax.ShapeDtypeStruct((NROWS, ROW_W), jnp.float32),
        scratch_types=[
            pltpu.VMEM((rpw,), jnp.int32),
            pltpu.VMEM((rpw, ROW_W), jnp.float32),
            pltpu.SemaphoreType.DMA,
        ],
    )
    def k(rows_hbm, atoms_hbm, out_hbm, idx_v, rows_v, sem):
        wid = lax.axis_index("s") * nc + lax.axis_index("c")
        base = wid * rpw
        pltpu.sync_copy(rows_hbm.at[pl.ds(base, rpw)], idx_v)
        pltpu.async_copy(atoms_hbm.at[idx_v], rows_v, sem).wait()
        pltpu.sync_copy(rows_v, out_hbm.at[pl.ds(base, rpw)])

    return k(rows, atoms2d)


def _finish(idx, x, praw):
    def body(idx_ref, x_ref, p_ref, sc_ref, re_ref):
        i = pl.program_id(0)
        pos = idx_ref[i] & (T - 1)
        p0 = p_ref[0]
        u = lax.broadcasted_iota(jnp.int32, (T, T), 0)
        t = lax.broadcasted_iota(jnp.int32, (T, T), 1)
        shift = jnp.where(u + pos == t, 1.0, 0.0).astype(jnp.float32)
        p = lax.dot(p0, shift, precision=lax.Precision.HIGHEST)
        n = jnp.sqrt(jnp.sum(p * p))
        normed = p / (n + 1e-8)
        xblk = x_ref[0]
        corr = jnp.sum(xblk * normed)
        scaled = normed * corr
        sc_ref[0] = scaled
        re_ref[0] = xblk - scaled

    return pl.pallas_call(
        body,
        grid=(B,),
        in_specs=[
            pl.BlockSpec(memory_space=pltpu.SMEM),
            pl.BlockSpec((1, C, T), lambda i: (i, 0, 0)),
            pl.BlockSpec((1, C, T), lambda i: (i, 0, 0)),
        ],
        out_specs=[
            pl.BlockSpec((1, C, T), lambda i: (i, 0, 0)),
            pl.BlockSpec((1, C, T), lambda i: (i, 0, 0)),
        ],
        out_shape=[
            jax.ShapeDtypeStruct((B, C, T), jnp.float32),
            jax.ShapeDtypeStruct((B, C, T), jnp.float32),
        ],
    )(idx, x, praw)


def kernel(x, W, b, atoms):
    wf = W.transpose(0, 2, 1).reshape(A, CK)
    b2 = b.reshape(A, 1)
    idx, rows = _conv_argmax(x, wf, b2)
    praw = _sc_gather(rows, atoms.reshape(A * RPA, ROW_W)).reshape(B, C, T)
    scaled, residual = _finish(idx, x, praw)
    return (scaled, residual)

# --- scband reference (transcript-rebuilt; emitter-appended) ---
"""Pipeline reference for scband-matching-pursuit-block-12086037970984 (READ-ONLY COPY).

The authoritative reference and input builder live on the scoring server;
editing this copy changes nothing except your own understanding.
"""

import jax, jax.numpy as jnp
import numpy as np

B = 32
LATENT = 256      # latent_channels (must equal n_spec_coeffs)
N_ATOMS = 1024
N_SPEC = 256      # n_spec_coeffs
T = 128           # time dim, hard-coded by the module (indices // 128, atoms[..., 128])
KSIZE = 7


def setup_inputs(seed: int = 0) -> dict:
    key = jax.random.key(seed)
    k1, k2, k3, k4 = jax.random.split(key, 4)
    x = jax.random.normal(k1, (B, LATENT, T), dtype=jnp.float32)
    # Conv1d(latent_channels -> n_atoms, kernel=7) params, PyTorch default init
    fan_in = LATENT * KSIZE
    bound = 1.0 / np.sqrt(fan_in)
    W = jax.random.uniform(k2, (N_ATOMS, LATENT, KSIZE), minval=-bound, maxval=bound, dtype=jnp.float32)
    b = jax.random.uniform(k3, (N_ATOMS,), minval=-bound, maxval=bound, dtype=jnp.float32)
    # atoms parameter: uniform(-0.01, 0.01)
    atoms = jax.random.uniform(k4, (N_ATOMS, N_SPEC, T), minval=-0.01, maxval=0.01, dtype=jnp.float32)
    return {"x": x, "W": W, "b": b, "atoms": atoms}


def _unit_norm(x, eps=1e-8):
    n = jnp.sqrt(jnp.sum(x ** 2, axis=(-2, -1), keepdims=True))
    return x / (n + eps)


def reference(x, W, b, atoms):
    start_spec = x
    # F.pad(x, (0, 6)) then valid conv with kernel 7 -> output length == T
    xp = jnp.pad(x, ((0, 0), (0, 0), (0, 6)))
    conv = jax.lax.conv_general_dilated(
        xp, W, window_strides=(1,), padding="VALID",
        dimension_numbers=("NCH", "OIH", "NCH"))
    conv = conv + b[None, :, None]  # [B, N_ATOMS, T]
    # sparsify(x, n_to_keep=1, return_indices=True): top-1 over flattened (atoms x time)
    flat = conv.reshape(conv.shape[0], -1)
    values, indices = jax.lax.top_k(flat, 1)  # values unused downstream
    idx = indices[:, 0]                       # [B]
    atom_index = idx // T                     # which atom
    position = idx % T                        # placement position
    # pallette[i, :, pos:] += atoms[ai, :, :T-pos]  (vectorized)
    sel = atoms[atom_index]                   # [B, N_SPEC, T]
    t = jnp.arange(T)
    src = t[None, :] - position[:, None]      # [B, T]
    valid = (src >= 0).astype(x.dtype)        # [B, T]
    src_idx = jnp.broadcast_to(jnp.clip(src, 0, T - 1)[:, None, :], sel.shape)
    pallette = jnp.take_along_axis(sel, src_idx, axis=2) * valid[:, None, :]
    normed = _unit_norm(pallette)
    corr = jnp.sum(start_spec * normed, axis=(-2, -1), keepdims=True)
    scaled = normed * corr
    residual = start_spec - scaled
    return (scaled, residual)

if __name__ == "__main__":
    import jax
    _d = setup_inputs()
    print(jax.jit(kernel)(*tuple(_d.values())))

</pallas_src>

<mosaic_0001>
#map = affine_map<(d0, d1) -> (0)>
#map1 = affine_map<(d0, d1) -> (0, 0)>
module attributes {stable_mosaic.version = 14 : i64} {
  func.func @k(%arg0: i32, %arg1: i32, %arg2: memref<512xi32, #tpu.memory_space<hbm>>, %arg3: memref<16384x2048xf32, #tpu.memory_space<hbm>>, %arg4: memref<512x2048xf32, #tpu.memory_space<hbm>>, %arg5: memref<16xi32, #tpu.memory_space<vmem>>, %arg6: memref<16x2048xf32, #tpu.memory_space<vmem>>, %arg7: memref<!tpu.dma_semaphore, #tpu.memory_space<semaphore_mem>>) attributes {dimension_semantics = [#tpu.dimension_semantics<core_parallel>, #tpu.dimension_semantics<subcore_parallel>], iteration_bounds = array<i64: 2, 16>, scalar_prefetch = 0 : i64, scratch_operands = 3 : i64, tpu.core_type = #tpu.core_type<sc_vector_subcore>, window_params = [{transform_indices = #map}, {transform_indices = #map1}, {transform_indices = #map1}]} {
    %mul3A = arith.constant 2 : i32
    %mul3A_0 = arith.muli %arg1, %mul3A : i32
    %add3A = arith.addi %mul3A_0, %arg0 : i32
    %mul3A_1 = arith.constant 16 : i32
    %mul3A_2 = arith.muli %add3A, %mul3A_1 : i32
    "tpu.region"() ({
      %run_scoped3A = tpu.sem_alloc : memref<!tpu.dma_semaphore, #tpu.memory_space<semaphore_mem>>
      %dma_start3A_7 = tpu.memref_slice %arg2[%mul3A_2] : memref<512xi32, #tpu.memory_space<hbm>> -> memref<16xi32, #tpu.memory_space<hbm>>
      %dma_start3A_8 = tpu.memref_slice %arg2[%mul3A_2] : memref<512xi32, #tpu.memory_space<hbm>> -> memref<16xi32, #tpu.memory_space<hbm>>
      tpu.enqueue_dma source(%dma_start3A_8 : memref<16xi32, #tpu.memory_space<hbm>>) target(%arg5 : memref<16xi32, #tpu.memory_space<vmem>>) target_semaphore(%run_scoped3A : memref<!tpu.dma_semaphore, #tpu.memory_space<semaphore_mem>>)
      %dma_wait3A_9 = tpu.memref_slice %arg2[%mul3A_2] : memref<512xi32, #tpu.memory_space<hbm>> -> memref<16xi32, #tpu.memory_space<hbm>>
      %dma_wait3A_10 = tpu.memref_slice %arg2[%mul3A_2] : memref<512xi32, #tpu.memory_space<hbm>> -> memref<16xi32, #tpu.memory_space<hbm>>
      tpu.wait_dma2 semaphore(%run_scoped3A : memref<!tpu.dma_semaphore, #tpu.memory_space<semaphore_mem>>) src(%dma_wait3A_10 : memref<16xi32, #tpu.memory_space<hbm>>) dst(%arg5 : memref<16xi32, #tpu.memory_space<vmem>>)
      tpu.yield
    }) : () -> ()
    %dma_start3A = arith.constant 0 : i32
    %dma_start3A_3 = arith.constant 0 : i32
    %dma_start3A_4 = tpu.memref_slice %arg3[%dma_start3A, %dma_start3A_3] : memref<16384x2048xf32, #tpu.memory_space<hbm>> -> memref<16384x2048xf32, #tpu.memory_space<hbm>>
    tpu.enqueue_indirect_dma source(%dma_start3A_4 : memref<16384x2048xf32, #tpu.memory_space<hbm>>) target(%arg6 : memref<16x2048xf32, #tpu.memory_space<vmem>>) offsets(%arg5 : memref<16xi32, #tpu.memory_space<vmem>>) semaphore(%arg7 : memref<!tpu.dma_semaphore, #tpu.memory_space<semaphore_mem>>)
    %dma_wait3A = arith.constant 0 : i32
    %dma_wait3A_5 = arith.constant 0 : i32
    %dma_wait3A_6 = tpu.memref_slice %arg3[%dma_wait3A, %dma_wait3A_5] : memref<16384x2048xf32, #tpu.memory_space<hbm>> -> memref<16384x2048xf32, #tpu.memory_space<hbm>>
    tpu.wait_indirect_dma semaphore(%arg7 : memref<!tpu.dma_semaphore, #tpu.memory_space<semaphore_mem>>) src(%dma_wait3A_6 : memref<16384x2048xf32, #tpu.memory_space<hbm>>) dst(%arg6 : memref<16x2048xf32, #tpu.memory_space<vmem>>)
    "tpu.region"() ({
      %run_scoped3A = tpu.sem_alloc : memref<!tpu.dma_semaphore, #tpu.memory_space<semaphore_mem>>
      %dma_start3A_7 = arith.constant 0 : i32
      %dma_start3A_8 = tpu.memref_slice %arg4[%mul3A_2, %dma_start3A_7] : memref<512x2048xf32, #tpu.memory_space<hbm>> -> memref<16x2048xf32, #tpu.memory_space<hbm>>
      %dma_start3A_9 = arith.constant 0 : i32
      %dma_start3A_10 = tpu.memref_slice %arg4[%mul3A_2, %dma_start3A_9] : memref<512x2048xf32, #tpu.memory_space<hbm>> -> memref<16x2048xf32, #tpu.memory_space<hbm>>
      tpu.enqueue_dma source(%arg6 : memref<16x2048xf32, #tpu.memory_space<vmem>>) target(%dma_start3A_10 : memref<16x2048xf32, #tpu.memory_space<hbm>>) target_semaphore(%run_scoped3A : memref<!tpu.dma_semaphore, #tpu.memory_space<semaphore_mem>>)
      %dma_wait3A_11 = arith.constant 0 : i32
      %dma_wait3A_12 = tpu.memref_slice %arg4[%mul3A_2, %dma_wait3A_11] : memref<512x2048xf32, #tpu.memory_space<hbm>> -> memref<16x2048xf32, #tpu.memory_space<hbm>>
      %dma_wait3A_13 = arith.constant 0 : i32
      %dma_wait3A_14 = tpu.memref_slice %arg4[%mul3A_2, %dma_wait3A_13] : memref<512x2048xf32, #tpu.memory_space<hbm>> -> memref<16x2048xf32, #tpu.memory_space<hbm>>
      tpu.wait_dma2 semaphore(%run_scoped3A : memref<!tpu.dma_semaphore, #tpu.memory_space<semaphore_mem>>) src(%arg6 : memref<16x2048xf32, #tpu.memory_space<vmem>>) dst(%dma_wait3A_14 : memref<16x2048xf32, #tpu.memory_space<hbm>>)
      tpu.yield
    }) : () -> ()
    return
  }
}

module attributes {stable_mosaic.version = 14 : i64} {
  func.func @body(%arg0: i32, %arg1: memref<1x256x128xf32, #tpu.memory_space<vmem>>, %arg2: memref<1024x1792xf32, #tpu.memory_space<vmem>>, %arg3: memref<1024x1xf32, #tpu.memory_space<vmem>>, %arg4: memref<32xi32, #tpu.memory_space<smem>>, %arg5: memref<512xi32, #tpu.memory_space<smem>>) attributes {dimension_semantics = [#tpu.dimension_semantics<arbitrary>], iteration_bounds = array<i64: 32>, scalar_prefetch = 0 : i64, scratch_operands = 0 : i64, tpu.core_type = #tpu.core_type<tc>, window_params = [{transform_indices = @transform_0, window_bounds = array<i64: 1, 256, 128>}, {pipeline_mode = #tpu.pipeline_mode<synchronous>, transform_indices = @transform_1, window_bounds = array<i64: 1024, 1792>}, {pipeline_mode = #tpu.pipeline_mode<synchronous>, transform_indices = @transform_2, window_bounds = array<i64: 1024, 1>}, {transform_indices = @transform_3, window_bounds = array<i64: 32>}, {transform_indices = @transform_4, window_bounds = array<i64: 512>}]} {
    %get3A = arith.constant 0 : index
    %get3A_0 = arith.constant 0 : index
    %get3A_1 = arith.constant 0 : index
    %get3A_2 = vector.load %arg1[%get3A, %get3A_0, %get3A_1] : memref<1x256x128xf32, #tpu.memory_space<vmem>>, vector<1x256x128xf32>
    %get3A_3 = vector.shape_cast %get3A_2 : vector<1x256x128xf32> to vector<256x128xf32>
    %iota3A = tpu.iota {dimensions = array<i32: 1>} : vector<256x128xi32>
    %roll3A = arith.constant 127 : i32
    %roll3A_4 = tpu.dynamic_rotate %get3A_3 by %roll3A dim 1 : vector<256x128xf32>, i32 -> vector<256x128xf32>
    %lt3A = arith.constant 127 : i32
    %lt3A_5 = vector.broadcast %lt3A : i32 to vector<256x128xi32>
    %lt3A_6 = arith.cmpi slt, %iota3A, %lt3A_5 : vector<256x128xi32>
    %jit3A = arith.constant 0.000000e+00 : f32
    %broadcast_in_dim3A = vector.broadcast %jit3A : f32 to vector<256x128xf32>
    %select_n3A = arith.select %lt3A_6, %roll3A_4, %broadcast_in_dim3A : vector<256x128xi1>, vector<256x128xf32>
    %roll3A_7 = arith.constant 126 : i32
    %roll3A_8 = tpu.dynamic_rotate %get3A_3 by %roll3A_7 dim 1 : vector<256x128xf32>, i32 -> vector<256x128xf32>
    %lt3A_9 = arith.constant 126 : i32
    %lt3A_10 = vector.broadcast %lt3A_9 : i32 to vector<256x128xi32>
    %lt3A_11 = arith.cmpi slt, %iota3A, %lt3A_10 : vector<256x128xi32>
    %jit3A_12 = arith.constant 0.000000e+00 : f32
    %broadcast_in_dim3A_13 = vector.broadcast %jit3A_12 : f32 to vector<256x128xf32>
    %select_n3A_14 = arith.select %lt3A_11, %roll3A_8, %broadcast_in_dim3A_13 : vector<256x128xi1>, vector<256x128xf32>
    %roll3A_15 = arith.constant 125 : i32
    %roll3A_16 = tpu.dynamic_rotate %get3A_3 by %roll3A_15 dim 1 : vector<256x128xf32>, i32 -> vector<256x128xf32>
    %lt3A_17 = arith.constant 125 : i32
    %lt3A_18 = vector.broadcast %lt3A_17 : i32 to vector<256x128xi32>
    %lt3A_19 = arith.cmpi slt, %iota3A, %lt3A_18 : vector<256x128xi32>
    %jit3A_20 = arith.constant 0.000000e+00 : f32
    %broadcast_in_dim3A_21 = vector.broadcast %jit3A_20 : f32 to vector<256x128xf32>
    %select_n3A_22 = arith.select %lt3A_19, %roll3A_16, %broadcast_in_dim3A_21 : vector<256x128xi1>, vector<256x128xf32>
    %roll3A_23 = arith.constant 124 : i32
    %roll3A_24 = tpu.dynamic_rotate %get3A_3 by %roll3A_23 dim 1 : vector<256x128xf32>, i32 -> vector<256x128xf32>
    %lt3A_25 = arith.constant 124 : i32
    %lt3A_26 = vector.broadcast %lt3A_25 : i32 to vector<256x128xi32>
    %lt3A_27 = arith.cmpi slt, %iota3A, %lt3A_26 : vector<256x128xi32>
    %jit3A_28 = arith.constant 0.000000e+00 : f32
    %broadcast_in_dim3A_29 = vector.broadcast %jit3A_28 : f32 to vector<256x128xf32>
    %select_n3A_30 = arith.select %lt3A_27, %roll3A_24, %broadcast_in_dim3A_29 : vector<256x128xi1>, vector<256x128xf32>
    %roll3A_31 = arith.constant 123 : i32
    %roll3A_32 = tpu.dynamic_rotate %get3A_3 by %roll3A_31 dim 1 : vector<256x128xf32>, i32 -> vector<256x128xf32>
    %lt3A_33 = arith.constant 123 : i32
    %lt3A_34 = vector.broadcast %lt3A_33 : i32 to vector<256x128xi32>
    %lt3A_35 = arith.cmpi slt, %iota3A, %lt3A_34 : vector<256x128xi32>
    %jit3A_36 = arith.constant 0.000000e+00 : f32
    %broadcast_in_dim3A_37 = vector.broadcast %jit3A_36 : f32 to vector<256x128xf32>
    %select_n3A_38 = arith.select %lt3A_35, %roll3A_32, %broadcast_in_dim3A_37 : vector<256x128xi1>, vector<256x128xf32>
    %roll3A_39 = arith.constant 122 : i32
    %roll3A_40 = tpu.dynamic_rotate %get3A_3 by %roll3A_39 dim 1 : vector<256x128xf32>, i32 -> vector<256x128xf32>
    %lt3A_41 = arith.constant 122 : i32
    %lt3A_42 = vector.broadcast %lt3A_41 : i32 to vector<256x128xi32>
    %lt3A_43 = arith.cmpi slt, %iota3A, %lt3A_42 : vector<256x128xi32>
    %jit3A_44 = arith.constant 0.000000e+00 : f32
    %broadcast_in_dim3A_45 = vector.broadcast %jit3A_44 : f32 to vector<256x128xf32>
    %select_n3A_46 = arith.select %lt3A_43, %roll3A_40, %broadcast_in_dim3A_45 : vector<256x128xi1>, vector<256x128xf32>
    %concatenate3A = tpu.concatenate %get3A_3, %select_n3A, %select_n3A_14, %select_n3A_22, %select_n3A_30, %select_n3A_38, %select_n3A_46 in 0 : vector<256x128xf32>, vector<256x128xf32>, vector<256x128xf32>, vector<256x128xf32>, vector<256x128xf32>, vector<256x128xf32>, vector<256x128xf32> -> vector<1792x128xf32>
    %get3A_47 = arith.constant 0 : index
    %get3A_48 = arith.constant 0 : index
    %get3A_49 = vector.load %arg2[%get3A_47, %get3A_48] : memref<1024x1792xf32, #tpu.memory_space<vmem>>, vector<1024x1792xf32>
    %dot_general3A = arith.constant dense<0.000000e+00> : vector<1024x128xf32>
    %dot_general3A_50 = tpu.matmul %get3A_49, %concatenate3A, %dot_general3A {dimension_numbers = #tpu.dot_dimension_numbers<[1], [0], [0], [1], [0, 0, 1, 1], [], []>, precision = #tpu.contract_precision<fp32>, transpose_lhs_hint = false} : vector<1024x1792xf32>, vector<1792x128xf32>, vector<1024x128xf32> -> vector<1024x128xf32>
    %get3A_51 = arith.constant 0 : index
    %get3A_52 = arith.constant 0 : index
    %get3A_53 = vector.load %arg3[%get3A_51, %get3A_52] : memref<1024x1xf32, #tpu.memory_space<vmem>>, vector<1024x1xf32>
    %add3A = vector.broadcast %get3A_53 : vector<1024x1xf32> to vector<1024x128xf32>
    %add3A_54 = arith.addf %dot_general3A_50, %add3A : vector<1024x128xf32>
    %reduce_max3A = vector.shape_cast %add3A_54 : vector<1024x128xf32> to vector<1x1024x128xf32>
    %reduce_max3A_55 = arith.constant dense<0xFF800000> : vector<1xf32>
    %reduce_max3A_56 = vector.multi_reduction <maximumf>, %reduce_max3A, %reduce_max3A_55 [1, 2] : vector<1x1024x128xf32> to vector<1xf32>
    %reduce_max3A_57 = vector.shape_cast %reduce_max3A_56 : vector<1xf32> to vector<1x1x1xf32>
    %reduce_max3A_58 = vector.extract %reduce_max3A_57[0, 0, 0] : f32 from vector<1x1x1xf32>
    %iota3A_59 = tpu.iota {dimensions = array<i32: 0>} : vector<1024x128xi32>
    %mul3A = arith.constant 128 : i32
    %mul3A_60 = vector.broadcast %mul3A : i32 to vector<1024x128xi32>
    %mul3A_61 = arith.muli %iota3A_59, %mul3A_60 : vector<1024x128xi32>
    %iota3A_62 = tpu.iota {dimensions = array<i32: 1>} : vector<1024x128xi32>
    %add3A_63 = arith.addi %mul3A_61, %iota3A_62 : vector<1024x128xi32>
    %eq3A = vector.broadcast %reduce_max3A_58 : f32 to vector<1024x128xf32>
    %eq3A_64 = arith.cmpf oeq, %add3A_54, %eq3A : vector<1024x128xf32>
    %jit3A_65 = arith.constant 2147483647 : i32
    %broadcast_in_dim3A_66 = vector.broadcast %jit3A_65 : i32 to vector<1024x128xi32>
    %select_n3A_67 = arith.select %eq3A_64, %add3A_63, %broadcast_in_dim3A_66 : vector<1024x128xi1>, vector<1024x128xi32>
    %reduce_min3A = vector.shape_cast %select_n3A_67 : vector<1024x128xi32> to vector<1x1024x128xi32>
    %reduce_min3A_68 = arith.constant dense<2147483647> : vector<1xi32>
    %reduce_min3A_69 = vector.multi_reduction <minsi>, %reduce_min3A, %reduce_min3A_68 [1, 2] : vector<1x1024x128xi32> to vector<1xi32>
    %reduce_min3A_70 = vector.shape_cast %reduce_min3A_69 : vector<1xi32> to vector<1x1x1xi32>
    %reduce_min3A_71 = vector.extract %reduce_min3A_70[0, 0, 0] : i32 from vector<1x1x1xi32>
    %swap3A = arith.index_cast %arg0 : i32 to index
    %swap3A_72 = memref.load %arg4[%swap3A] : memref<32xi32, #tpu.memory_space<smem>>
    memref.store %reduce_min3A_71, %arg4[%swap3A] : memref<32xi32, #tpu.memory_space<smem>>
    %shift_right_arithmetic3A = arith.constant 7 : i32
    %shift_right_arithmetic3A_73 = arith.shrsi %reduce_min3A_71, %shift_right_arithmetic3A : i32
    %mul3A_74 = arith.constant 16 : i32
    %mul3A_75 = arith.muli %shift_right_arithmetic3A_73, %mul3A_74 : i32
    %add3A_76 = arith.constant 0 : i32
    %add3A_77 = arith.addi %mul3A_75, %add3A_76 : i32
    %mul3A_78 = arith.constant 16 : i32
    %mul3A_79 = arith.muli %arg0, %mul3A_78 : i32
    %add3A_80 = arith.constant 0 : i32
    %add3A_81 = arith.addi %mul3A_79, %add3A_80 : i32
    %swap3A_82 = arith.index_cast %add3A_81 : i32 to index
    %swap3A_83 = memref.load %arg5[%swap3A_82] : memref<512xi32, #tpu.memory_space<smem>>
    memref.store %add3A_77, %arg5[%swap3A_82] : memref<512xi32, #tpu.memory_space<smem>>
    %mul3A_84 = arith.constant 16 : i32
    %mul3A_85 = arith.muli %shift_right_arithmetic3A_73, %mul3A_84 : i32
    %add3A_86 = arith.constant 1 : i32
    %add3A_87 = arith.addi %mul3A_85, %add3A_86 : i32
    %mul3A_88 = arith.constant 16 : i32
    %mul3A_89 = arith.muli %arg0, %mul3A_88 : i32
    %add3A_90 = arith.constant 1 : i32
    %add3A_91 = arith.addi %mul3A_89, %add3A_90 : i32
    %swap3A_92 = arith.index_cast %add3A_91 : i32 to index
    %swap3A_93 = memref.load %arg5[%swap3A_92] : memref<512xi32, #tpu.memory_space<smem>>
    memref.store %add3A_87, %arg5[%swap3A_92] : memref<512xi32, #tpu.memory_space<smem>>
    %mul3A_94 = arith.constant 16 : i32
    %mul3A_95 = arith.muli %shift_right_arithmetic3A_73, %mul3A_94 : i32
    %add3A_96 = arith.constant 2 : i32
    %add3A_97 = arith.addi %mul3A_95, %add3A_96 : i32
    %mul3A_98 = arith.constant 16 : i32
    %mul3A_99 = arith.muli %arg0, %mul3A_98 : i32
    %add3A_100 = arith.constant 2 : i32
    %add3A_101 = arith.addi %mul3A_99, %add3A_100 : i32
    %swap3A_102 = arith.index_cast %add3A_101 : i32 to index
    %swap3A_103 = memref.load %arg5[%swap3A_102] : memref<512xi32, #tpu.memory_space<smem>>
    memref.store %add3A_97, %arg5[%swap3A_102] : memref<512xi32, #tpu.memory_space<smem>>
    %mul3A_104 = arith.constant 16 : i32
    %mul3A_105 = arith.muli %shift_right_arithmetic3A_73, %mul3A_104 : i32
    %add3A_106 = arith.constant 3 : i32
    %add3A_107 = arith.addi %mul3A_105, %add3A_106 : i32
    %mul3A_108 = arith.constant 16 : i32
    %mul3A_109 = arith.muli %arg0, %mul3A_108 : i32
    %add3A_110 = arith.constant 3 : i32
    %add3A_111 = arith.addi %mul3A_109, %add3A_110 : i32
    %swap3A_112 = arith.index_cast %add3A_111 : i32 to index
    %swap3A_113 = memref.load %arg5[%swap3A_112] : memref<512xi32, #tpu.memory_space<smem>>
    memref.store %add3A_107, %arg5[%swap3A_112] : memref<512xi32, #tpu.memory_space<smem>>
    %mul3A_114 = arith.constant 16 : i32
    %mul3A_115 = arith.muli %shift_right_arithmetic3A_73, %mul3A_114 : i32
    %add3A_116 = arith.constant 4 : i32
    %add3A_117 = arith.addi %mul3A_115, %add3A_116 : i32
    %mul3A_118 = arith.constant 16 : i32
    %mul3A_119 = arith.muli %arg0, %mul3A_118 : i32
    %add3A_120 = arith.constant 4 : i32
    %add3A_121 = arith.addi %mul3A_119, %add3A_120 : i32
    %swap3A_122 = arith.index_cast %add3A_121 : i32 to index
    %swap3A_123 = memref.load %arg5[%swap3A_122] : memref<512xi32, #tpu.memory_space<smem>>
    memref.store %add3A_117, %arg5[%swap3A_122] : memref<512xi32, #tpu.memory_space<smem>>
    %mul3A_124 = arith.constant 16 : i32
    %mul3A_125 = arith.muli %shift_right_arithmetic3A_73, %mul3A_124 : i32
    %add3A_126 = arith.constant 5 : i32
    %add3A_127 = arith.addi %mul3A_125, %add3A_126 : i32
    %mul3A_128 = arith.constant 16 : i32
    %mul3A_129 = arith.muli %arg0, %mul3A_128 : i32
    %add3A_130 = arith.constant 5 : i32
    %add3A_131 = arith.addi %mul3A_129, %add3A_130 : i32
    %swap3A_132 = arith.index_cast %add3A_131 : i32 to index
    %swap3A_133 = memref.load %arg5[%swap3A_132] : memref<512xi32, #tpu.memory_space<smem>>
    memref.store %add3A_127, %arg5[%swap3A_132] : memref<512xi32, #tpu.memory_space<smem>>
    %mul3A_134 = arith.constant 16 : i32
    %mul3A_135 = arith.muli %shift_right_arithmetic3A_73, %mul3A_134 : i32
    %add3A_136 = arith.constant 6 : i32
    %add3A_137 = arith.addi %mul3A_135, %add3A_136 : i32
    %mul3A_138 = arith.constant 16 : i32
    %mul3A_139 = arith.muli %arg0, %mul3A_138 : i32
    %add3A_140 = arith.constant 6 : i32
    %add3A_141 = arith.addi %mul3A_139, %add3A_140 : i32
    %swap3A_142 = arith.index_cast %add3A_141 : i32 to index
    %swap3A_143 = memref.load %arg5[%swap3A_142] : memref<512xi32, #tpu.memory_space<smem>>
    memref.store %add3A_137, %arg5[%swap3A_142] : memref<512xi32, #tpu.memory_space<smem>>
    %mul3A_144 = arith.constant 16 : i32
    %mul3A_145 = arith.muli %shift_right_arithmetic3A_73, %mul3A_144 : i32
    %add3A_146 = arith.constant 7 : i32
    %add3A_147 = arith.addi %mul3A_145, %add3A_146 : i32
    %mul3A_148 = arith.constant 16 : i32
    %mul3A_149 = arith.muli %arg0, %mul3A_148 : i32
    %add3A_150 = arith.constant 7 : i32
    %add3A_151 = arith.addi %mul3A_149, %add3A_150 : i32
    %swap3A_152 = arith.index_cast %add3A_151 : i32 to index
    %swap3A_153 = memref.load %arg5[%swap3A_152] : memref<512xi32, #tpu.memory_space<smem>>
    memref.store %add3A_147, %arg5[%swap3A_152] : memref<512xi32, #tpu.memory_space<smem>>
    %mul3A_154 = arith.constant 16 : i32
    %mul3A_155 = arith.muli %shift_right_arithmetic3A_73, %mul3A_154 : i32
    %add3A_156 = arith.constant 8 : i32
    %add3A_157 = arith.addi %mul3A_155, %add3A_156 : i32
    %mul3A_158 = arith.constant 16 : i32
    %mul3A_159 = arith.muli %arg0, %mul3A_158 : i32
    %add3A_160 = arith.constant 8 : i32
    %add3A_161 = arith.addi %mul3A_159, %add3A_160 : i32
    %swap3A_162 = arith.index_cast %add3A_161 : i32 to index
    %swap3A_163 = memref.load %arg5[%swap3A_162] : memref<512xi32, #tpu.memory_space<smem>>
    memref.store %add3A_157, %arg5[%swap3A_162] : memref<512xi32, #tpu.memory_space<smem>>
    %mul3A_164 = arith.constant 16 : i32
    %mul3A_165 = arith.muli %shift_right_arithmetic3A_73, %mul3A_164 : i32
    %add3A_166 = arith.constant 9 : i32
    %add3A_167 = arith.addi %mul3A_165, %add3A_166 : i32
    %mul3A_168 = arith.constant 16 : i32
    %mul3A_169 = arith.muli %arg0, %mul3A_168 : i32
    %add3A_170 = arith.constant 9 : i32
    %add3A_171 = arith.addi %mul3A_169, %add3A_170 : i32
    %swap3A_172 = arith.index_cast %add3A_171 : i32 to index
    %swap3A_173 = memref.load %arg5[%swap3A_172] : memref<512xi32, #tpu.memory_space<smem>>
    memref.store %add3A_167, %arg5[%swap3A_172] : memref<512xi32, #tpu.memory_space<smem>>
    %mul3A_174 = arith.constant 16 : i32
    %mul3A_175 = arith.muli %shift_right_arithmetic3A_73, %mul3A_174 : i32
    %add3A_176 = arith.constant 10 : i32
    %add3A_177 = arith.addi %mul3A_175, %add3A_176 : i32
    %mul3A_178 = arith.constant 16 : i32
    %mul3A_179 = arith.muli %arg0, %mul3A_178 : i32
    %add3A_180 = arith.constant 10 : i32
    %add3A_181 = arith.addi %mul3A_179, %add3A_180 : i32
    %swap3A_182 = arith.index_cast %add3A_181 : i32 to index
    %swap3A_183 = memref.load %arg5[%swap3A_182] : memref<512xi32, #tpu.memory_space<smem>>
    memref.store %add3A_177, %arg5[%swap3A_182] : memref<512xi32, #tpu.memory_space<smem>>
    %mul3A_184 = arith.constant 16 : i32
    %mul3A_185 = arith.muli %shift_right_arithmetic3A_73, %mul3A_184 : i32
    %add3A_186 = arith.constant 11 : i32
    %add3A_187 = arith.addi %mul3A_185, %add3A_186 : i32
    %mul3A_188 = arith.constant 16 : i32
    %mul3A_189 = arith.muli %arg0, %mul3A_188 : i32
    %add3A_190 = arith.constant 11 : i32
    %add3A_191 = arith.addi %mul3A_189, %add3A_190 : i32
    %swap3A_192 = arith.index_cast %add3A_191 : i32 to index
    %swap3A_193 = memref.load %arg5[%swap3A_192] : memref<512xi32, #tpu.memory_space<smem>>
    memref.store %add3A_187, %arg5[%swap3A_192] : memref<512xi32, #tpu.memory_space<smem>>
    %mul3A_194 = arith.constant 16 : i32
    %mul3A_195 = arith.muli %shift_right_arithmetic3A_73, %mul3A_194 : i32
    %add3A_196 = arith.constant 12 : i32
    %add3A_197 = arith.addi %mul3A_195, %add3A_196 : i32
    %mul3A_198 = arith.constant 16 : i32
    %mul3A_199 = arith.muli %arg0, %mul3A_198 : i32
    %add3A_200 = arith.constant 12 : i32
    %add3A_201 = arith.addi %mul3A_199, %add3A_200 : i32
    %swap3A_202 = arith.index_cast %add3A_201 : i32 to index
    %swap3A_203 = memref.load %arg5[%swap3A_202] : memref<512xi32, #tpu.memory_space<smem>>
    memref.store %add3A_197, %arg5[%swap3A_202] : memref<512xi32, #tpu.memory_space<smem>>
    %mul3A_204 = arith.constant 16 : i32
    %mul3A_205 = arith.muli %shift_right_arithmetic3A_73, %mul3A_204 : i32
    %add3A_206 = arith.constant 13 : i32
    %add3A_207 = arith.addi %mul3A_205, %add3A_206 : i32
    %mul3A_208 = arith.constant 16 : i32
    %mul3A_209 = arith.muli %arg0, %mul3A_208 : i32
    %add3A_210 = arith.constant 13 : i32
    %add3A_211 = arith.addi %mul3A_209, %add3A_210 : i32
    %swap3A_212 = arith.index_cast %add3A_211 : i32 to index
    %swap3A_213 = memref.load %arg5[%swap3A_212] : memref<512xi32, #tpu.memory_space<smem>>
    memref.store %add3A_207, %arg5[%swap3A_212] : memref<512xi32, #tpu.memory_space<smem>>
    %mul3A_214 = arith.constant 16 : i32
    %mul3A_215 = arith.muli %shift_right_arithmetic3A_73, %mul3A_214 : i32
    %add3A_216 = arith.constant 14 : i32
    %add3A_217 = arith.addi %mul3A_215, %add3A_216 : i32
    %mul3A_218 = arith.constant 16 : i32
    %mul3A_219 = arith.muli %arg0, %mul3A_218 : i32
    %add3A_220 = arith.constant 14 : i32
    %add3A_221 = arith.addi %mul3A_219, %add3A_220 : i32
    %swap3A_222 = arith.index_cast %add3A_221 : i32 to index
    %swap3A_223 = memref.load %arg5[%swap3A_222] : memref<512xi32, #tpu.memory_space<smem>>
    memref.store %add3A_217, %arg5[%swap3A_222] : memref<512xi32, #tpu.memory_space<smem>>
    %mul3A_224 = arith.constant 16 : i32
    %mul3A_225 = arith.muli %shift_right_arithmetic3A_73, %mul3A_224 : i32
    %add3A_226 = arith.constant 15 : i32
    %add3A_227 = arith.addi %mul3A_225, %add3A_226 : i32
    %mul3A_228 = arith.constant 16 : i32
    %mul3A_229 = arith.muli %arg0, %mul3A_228 : i32
    %add3A_230 = arith.constant 15 : i32
    %add3A_231 = arith.addi %mul3A_229, %add3A_230 : i32
    %swap3A_232 = arith.index_cast %add3A_231 : i32 to index
    %swap3A_233 = memref.load %arg5[%swap3A_232] : memref<512xi32, #tpu.memory_space<smem>>
    memref.store %add3A_227, %arg5[%swap3A_232] : memref<512xi32, #tpu.memory_space<smem>>
    return
  }
  func.func @transform_0(%arg0: i32) -> (i32, i32, i32) {
    %c0_i32 = arith.constant 0 : i32
    %c0_i32_0 = arith.constant 0 : i32
    %c0_i32_1 = arith.constant 0 : i32
    return %arg0, %c0_i32, %c0_i32_0 : i32, i32, i32
  }
  func.func @transform_1(%arg0: i32) -> (i32, i32) {
    %c0_i32 = arith.constant 0 : i32
    %c0_i32_0 = arith.constant 0 : i32
    %c0_i32_1 = arith.constant 0 : i32
    return %c0_i32, %c0_i32_0 : i32, i32
  }
  func.func @transform_2(%arg0: i32) -> (i32, i32) {
    %c0_i32 = arith.constant 0 : i32
    %c0_i32_0 = arith.constant 0 : i32
    %c0_i32_1 = arith.constant 0 : i32
    return %c0_i32, %c0_i32_0 : i32, i32
  }
  func.func @transform_3(%arg0: i32) -> i32 {
    %c0_i32 = arith.constant 0 : i32
    %c0_i32_0 = arith.constant 0 : i32
    return %c0_i32 : i32
  }
  func.func @transform_4(%arg0: i32) -> i32 {
    %c0_i32 = arith.constant 0 : i32
    %c0_i32_0 = arith.constant 0 : i32
    return %c0_i32 : i32
  }
}

module attributes {stable_mosaic.version = 14 : i64} {
  func.func @body(%arg0: i32, %arg1: memref<32xi32, #tpu.memory_space<smem>>, %arg2: memref<1x256x128xf32, #tpu.memory_space<vmem>>, %arg3: memref<1x256x128xf32, #tpu.memory_space<vmem>>, %arg4: memref<1x256x128xf32, #tpu.memory_space<vmem>>, %arg5: memref<1x256x128xf32, #tpu.memory_space<vmem>>) attributes {dimension_semantics = [#tpu.dimension_semantics<arbitrary>], iteration_bounds = array<i64: 32>, scalar_prefetch = 0 : i64, scratch_operands = 0 : i64, tpu.core_type = #tpu.core_type<tc>, window_params = [{transform_indices = @transform_0, window_bounds = array<i64: 32>}, {transform_indices = @transform_1, window_bounds = array<i64: 1, 256, 128>}, {transform_indices = @transform_2, window_bounds = array<i64: 1, 256, 128>}, {transform_indices = @transform_3, window_bounds = array<i64: 1, 256, 128>}, {transform_indices = @transform_4, window_bounds = array<i64: 1, 256, 128>}]} {
    %get3A = arith.index_cast %arg0 : i32 to index
    %get3A_0 = memref.load %arg1[%get3A] : memref<32xi32, #tpu.memory_space<smem>>
    %and3A = arith.constant 127 : i32
    %and3A_1 = arith.andi %get3A_0, %and3A : i32
    %get3A_2 = arith.constant 0 : index
    %get3A_3 = arith.constant 0 : index
    %get3A_4 = arith.constant 0 : index
    %get3A_5 = vector.load %arg3[%get3A_2, %get3A_3, %get3A_4] : memref<1x256x128xf32, #tpu.memory_space<vmem>>, vector<1x256x128xf32>
    %get3A_6 = vector.shape_cast %get3A_5 : vector<1x256x128xf32> to vector<256x128xf32>
    %iota3A = tpu.iota {dimensions = array<i32: 0>} : vector<128x128xi32>
    %iota3A_7 = tpu.iota {dimensions = array<i32: 1>} : vector<128x128xi32>
    %add3A = vector.broadcast %and3A_1 : i32 to vector<128x128xi32>
    %add3A_8 = arith.addi %iota3A, %add3A : vector<128x128xi32>
    %eq3A = arith.cmpi eq, %add3A_8, %iota3A_7 : vector<128x128xi32>
    %jit3A = arith.constant 1.000000e+00 : f32
    %jit3A_9 = arith.constant 0.000000e+00 : f32
    %broadcast_in_dim3A = vector.broadcast %jit3A : f32 to vector<128x128xf32>
    %broadcast_in_dim3A_10 = vector.broadcast %jit3A_9 : f32 to vector<128x128xf32>
    %select_n3A = arith.select %eq3A, %broadcast_in_dim3A, %broadcast_in_dim3A_10 : vector<128x128xi1>, vector<128x128xf32>
    %dot_general3A = arith.constant dense<0.000000e+00> : vector<256x128xf32>
    %dot_general3A_11 = tpu.matmul %get3A_6, %select_n3A, %dot_general3A {dimension_numbers = #tpu.dot_dimension_numbers<[1], [0], [0], [1], [0, 0, 1, 1], [], []>, precision = #tpu.contract_precision<fp32>, transpose_lhs_hint = false} : vector<256x128xf32>, vector<128x128xf32>, vector<256x128xf32> -> vector<256x128xf32>
    %mul3A = arith.mulf %dot_general3A_11, %dot_general3A_11 : vector<256x128xf32>
    %reduce_sum3A = vector.shape_cast %mul3A : vector<256x128xf32> to vector<1x256x128xf32>
    %reduce_sum3A_12 = arith.constant dense<0.000000e+00> : vector<1xf32>
    %reduce_sum3A_13 = vector.multi_reduction <add>, %reduce_sum3A, %reduce_sum3A_12 [1, 2] : vector<1x256x128xf32> to vector<1xf32>
    %reduce_sum3A_14 = vector.shape_cast %reduce_sum3A_13 : vector<1xf32> to vector<1x1x1xf32>
    %reduce_sum3A_15 = vector.extract %reduce_sum3A_14[0, 0, 0] : f32 from vector<1x1x1xf32>
    %sqrt3A = math.sqrt %reduce_sum3A_15 : f32
    %add3A_16 = arith.constant 9.99999993E-9 : f32
    %add3A_17 = arith.addf %sqrt3A, %add3A_16 : f32
    %div3A = vector.broadcast %add3A_17 : f32 to vector<256x128xf32>
    %div3A_18 = arith.divf %dot_general3A_11, %div3A : vector<256x128xf32>
    %get3A_19 = arith.constant 0 : index
    %get3A_20 = arith.constant 0 : index
    %get3A_21 = arith.constant 0 : index
    %get3A_22 = vector.load %arg2[%get3A_19, %get3A_20, %get3A_21] : memref<1x256x128xf32, #tpu.memory_space<vmem>>, vector<1x256x128xf32>
    %get3A_23 = vector.shape_cast %get3A_22 : vector<1x256x128xf32> to vector<256x128xf32>
    %mul3A_24 = arith.mulf %get3A_23, %div3A_18 : vector<256x128xf32>
    %reduce_sum3A_25 = vector.shape_cast %mul3A_24 : vector<256x128xf32> to vector<1x256x128xf32>
    %reduce_sum3A_26 = arith.constant dense<0.000000e+00> : vector<1xf32>
    %reduce_sum3A_27 = vector.multi_reduction <add>, %reduce_sum3A_25, %reduce_sum3A_26 [1, 2] : vector<1x256x128xf32> to vector<1xf32>
    %reduce_sum3A_28 = vector.shape_cast %reduce_sum3A_27 : vector<1xf32> to vector<1x1x1xf32>
    %reduce_sum3A_29 = vector.extract %reduce_sum3A_28[0, 0, 0] : f32 from vector<1x1x1xf32>
    %mul3A_30 = vector.broadcast %reduce_sum3A_29 : f32 to vector<256x128xf32>
    %mul3A_31 = arith.mulf %div3A_18, %mul3A_30 : vector<256x128xf32>
    %swap3A = arith.constant 0 : index
    %swap3A_32 = arith.constant 0 : index
    %swap3A_33 = arith.constant 0 : index
    %swap3A_34 = vector.load %arg4[%swap3A, %swap3A_32, %swap3A_33] : memref<1x256x128xf32, #tpu.memory_space<vmem>>, vector<1x256x128xf32>
    %swap3A_35 = vector.shape_cast %swap3A_34 : vector<1x256x128xf32> to vector<256x128xf32>
    %swap3A_36 = vector.shape_cast %mul3A_31 : vector<256x128xf32> to vector<1x256x128xf32>
    tpu.vector_store %arg4[%swap3A, %swap3A_32, %swap3A_33], %swap3A_36 {strides = array<i32>} : memref<1x256x128xf32, #tpu.memory_space<vmem>>, vector<1x256x128xf32>,
    %sub3A = arith.subf %get3A_23, %mul3A_31 : vector<256x128xf32>
    %swap3A_37 = arith.constant 0 : index
    %swap3A_38 = arith.constant 0 : index
    %swap3A_39 = arith.constant 0 : index
    %swap3A_40 = vector.load %arg5[%swap3A_37, %swap3A_38, %swap3A_39] : memref<1x256x128xf32, #tpu.memory_space<vmem>>, vector<1x256x128xf32>
    %swap3A_41 = vector.shape_cast %swap3A_40 : vector<1x256x128xf32> to vector<256x128xf32>
    %swap3A_42 = vector.shape_cast %sub3A : vector<256x128xf32> to vector<1x256x128xf32>
    tpu.vector_store %arg5[%swap3A_37, %swap3A_38, %swap3A_39], %swap3A_42 {strides = array<i32>} : memref<1x256x128xf32, #tpu.memory_space<vmem>>, vector<1x256x128xf32>,
    return
  }
  func.func @transform_0(%arg0: i32) -> i32 {
    %c0_i32 = arith.constant 0 : i32
    %c0_i32_0 = arith.constant 0 : i32
    return %c0_i32 : i32
  }
  func.func @transform_1(%arg0: i32) -> (i32, i32, i32) {
    %c0_i32 = arith.constant 0 : i32
    %c0_i32_0 = arith.constant 0 : i32
    %c0_i32_1 = arith.constant 0 : i32
    return %arg0, %c0_i32, %c0_i32_0 : i32, i32, i32
  }
  func.func @transform_2(%arg0: i32) -> (i32, i32, i32) {
    %c0_i32 = arith.constant 0 : i32
    %c0_i32_0 = arith.constant 0 : i32
    %c0_i32_1 = arith.constant 0 : i32
    return %arg0, %c0_i32, %c0_i32_0 : i32, i32, i32
  }
  func.func @transform_3(%arg0: i32) -> (i32, i32, i32) {
    %c0_i32 = arith.constant 0 : i32
    %c0_i32_0 = arith.constant 0 : i32
    %c0_i32_1 = arith.constant 0 : i32
    return %arg0, %c0_i32, %c0_i32_0 : i32, i32, i32
  }
  func.func @transform_4(%arg0: i32) -> (i32, i32, i32) {
    %c0_i32 = arith.constant 0 : i32
    %c0_i32_0 = arith.constant 0 : i32
    %c0_i32_1 = arith.constant 0 : i32
    return %arg0, %c0_i32, %c0_i32_0 : i32, i32, i32
  }
}

</mosaic_0001>

<sc_bundles>
// kernel: kernel.5.cloned.1.call-start
scs
__scs_entry_jumppad:
0x0: {  	(pc) =	sbr.rel $0x88, $3  }
0x1: {  	(tag) =	ssettag $0x0;
	lr =	simm.s32 $0x1  }
0x2: {  	[smem:$0x3F9D] =	sst lr;
	_ =	strace $0xD0000000  }
0x3: {  	_ = 	snop  }
0x4: {  	_ = 	snop  }
0x5: {  	_ = 	snop  }
0x6: {  	_ = 	snop  }
0x7: {  	_ = 	snop  }
__scs_overlays_trampoline_lowered:
0x8: {  	[smem:$0x3FAC] =	sst s0  }
0x9: {  	[smem:$0x3FAD] =	sst s1  }
0xa: {  	[smem:$0x3FAE] =	sst s2  }
0xb: {  	[smem:$0x3FAF] =	sst s3  }
0xc: {  	[smem:$0x3FB0] =	sst s4  }
0xd: {  	[smem:$0x3FB1] =	sst s5  }
0xe: {  	[smem:$0x3FB2] =	sst s6  }
0xf: {  	[smem:$0x3FB3] =	sst s7  }
0x10: {  	[smem:$0x3FB4] =	sst s8  }
0x11: {  	[smem:$0x3FB5] =	sst s9;
	s0 =	simm.s32 @!p0 $0x0  }
0x12: {  	s1 =	sld [smem:$0x3F9B];
	s0 =	simm.s32 @p0 $0x1  }
0x13: {  	[smem:$0x3FB6] =	sst s0;
	s0 =	simm.s32 @!p1 $0x0  }
0x14: {  	s2 =	sld [smem:$0x3F9A];
	s0 =	simm.s32 @p1 $0x1  }
0x15: {  	[smem:$0x3FB7] =	sst s0;
	s0 =	simm.s32 @!p2 $0x0  }
0x16: {  	s3 =	sld [smem:$0x3FDB];
	s0 =	simm.s32 @p2 $0x1  }
0x17: {  	s4 =	simm.s32 $0x1BF5;
	[smem:$0x3FB9] =	sst s0  }
0x18: {  	s0 =	sld [smem:$0x3F9C];
	_ =	swait.ge [sflag:s4], $0x0  }
0x19: {  	s7 =	sld [smem:$0x3F9D]  }
0x1a: {  	s8 =	sadd.s32 $0xFFFFE003, lr  }
0x1b: {  	s9 =	sadd.s32 $0xFFFFFEF7, lr;
	s5 =	simm.s32 $0xFFFFFFFF;
	p2 =	slt.u32 s8, $0xFFFFF086  }
0x1c: {  	p1 =	slt.u32 s9, $0xF7A;
	s5 =	simm.s32 @!p2 $0x0  }
0x1d: {  	s5 =	simm.s32 @p1 $0x1;
	p0 =	seq.s32 s7, s2  }
0x1e: {  	s7 =	smul.u32 @!p0 $0xF7A, s2;
	p2 =	seq.s32 @!p0 s5, $0x0  }
0x1f: {  	s9 =	smul.u32 $0xF7A, s1;
	s8 =	simm.s32 @!p0 $0x1BF5;
	p2 =	por !p2, p0  }
0x20: {  	[sflag:s8] =	ssyncset.s32 @!p0 $0xFFFFF086;
	s6 =	sadd.s32 @!p0 s3, s7;
	s7 =	simm.s32 @!p0 $0x108  }
0x21: {  	s3 =	sadd.s32 s3, s9;
	s6 =	sadd.s32 @!p0 $0x88, s6;
	s7 =	simm.s32 @p2 $0x1082  }
0x22: {  	[simem:s7], [sflag:s8] =	dma.local @!p0 [hbm:s6], $0xF7A  }
0x23: {  	s9 =	sor.u32 $0xD0000000, s2;
	s6 =	simm.s32 $0x108;
	_ =	swait.ge @!p0 [sflag:s8], $0x0  }
0x24: {  	s3 =	sadd.s32 $0x88, s3;
	s6 =	simm.s32 @!p1 $0x1082;
	[sflag:s4] =	ssyncset.s32 $0xFFFFF086  }
0x25: {  	[simem:s6], [sflag:s4] =	dma.local [hbm:s3], $0xF7A  }
0x26: {  	[smem:$0x3F9D] =	sst s1;
	(tag) =	ssettag s2;
	_ =	strace s9  }
0x27: {  	s1 =	sld [smem:$0x3FAD]  }
0x28: {  	s2 =	sld [smem:$0x3FAE]  }
0x29: {  	s4 =	sld [smem:$0x3FB0]  }
0x2a: {  	p0 =	seq.s32 s5, $0x0;
	s5 =	sld [smem:$0x3FB1]  }
0x2b: {  	s6 =	sld [smem:$0x3FB2]  }
0x2c: {  	s7 =	sld [smem:$0x3FB3]  }
0x2d: {  	s3 =	simm.s32 $0x108;
	s8 =	sld [smem:$0x3FB4]  }
0x2e: {  	s3 =	simm.s32 @!p0 $0x1082;
	s9 =	sld [smem:$0x3FB5]  }
0x2f: {  	lr =	sadd.s32 s0, s3;
	s0 =	sld [smem:$0x3FAC]  }
0x30: {  	s3 =	sld [smem:$0x3FAF]  }
0x31: {  	[smem:$0x3FB8] =	sst s10  }
0x32: {  	s10 =	sld [smem:$0x3FB6];
	_ =	sdelay $0x3  }
0x33: {  	p0 =	seq.s32 s10, $0x1;
	s10 =	sld [smem:$0x3FB8];
	_ =	sdelay $0x3  }
0x34: {  	[smem:$0x3FB8] =	sst s10  }
0x35: {  	s10 =	sld [smem:$0x3FB7];
	_ =	sdelay $0x3  }
0x36: {  	p1 =	seq.s32 s10, $0x1;
	s10 =	sld [smem:$0x3FB8];
	_ =	sdelay $0x3  }
0x37: {  	[smem:$0x3FB8] =	sst s10  }
0x38: {  	s10 =	sld [smem:$0x3FB9]  }
0x39: {  	_ = 	snop;
	(pc) =	sbr.ind lr, $3  }
0x3a: {  	_ = 	snop  }
0x3b: {  	_ = 	snop  }
0x3c: {  	p2 =	seq.s32 s10, $0x1;
	s10 =	sld [smem:$0x3FB8]  }
0x3d: {  	_ =	shalt  }
0x3e: {  	_ =	shalt  }
0x3f: {  	_ =	shalt  }
0x40: {  	_ =	shalt  }
0x41: {  	_ =	shalt  }
0x42: {  	_ =	shalt  }
0x43: {  	_ =	shalt  }
0x44: {  	_ =	shalt  }
0x45: {  	_ =	shalt  }
0x46: {  	_ =	shalt  }
0x47: {  	_ =	shalt  }
0x48: {  	_ =	shalt  }
0x49: {  	_ =	shalt  }
0x4a: {  	_ =	shalt  }
0x4b: {  	_ =	shalt  }
0x4c: {  	_ =	shalt  }
0x4d: {  	_ =	shalt  }
0x4e: {  	_ =	shalt  }
0x4f: {  	_ =	shalt  }
0x50: {  	_ =	shalt  }
0x51: {  	_ =	shalt  }
0x52: {  	_ =	shalt  }
0x53: {  	_ =	shalt  }
0x54: {  	_ =	shalt  }
0x55: {  	_ =	shalt  }
0x56: {  	_ =	shalt  }
0x57: {  	_ =	shalt  }
0x58: {  	_ =	shalt  }
0x59: {  	_ =	shalt  }
0x5a: {  	_ =	shalt  }
0x5b: {  	_ =	shalt  }
0x5c: {  	_ =	shalt  }
0x5d: {  	_ =	shalt  }
0x5e: {  	_ =	shalt  }
0x5f: {  	_ =	shalt  }
0x60: {  	_ =	shalt  }
0x61: {  	_ =	shalt  }
0x62: {  	_ =	shalt  }
0x63: {  	_ =	shalt  }
0x64: {  	_ =	shalt  }
0x65: {  	_ =	shalt  }
0x66: {  	_ =	shalt  }
0x67: {  	_ =	shalt  }
0x68: {  	_ =	shalt  }
0x69: {  	_ =	shalt  }
0x6a: {  	_ =	shalt  }
0x6b: {  	_ =	shalt  }
0x6c: {  	_ =	shalt  }
0x6d: {  	_ =	shalt  }
0x6e: {  	_ =	shalt  }
0x6f: {  	_ =	shalt  }
0x70: {  	_ =	shalt  }
0x71: {  	_ =	shalt  }
0x72: {  	_ =	shalt  }
0x73: {  	_ =	shalt  }
0x74: {  	_ =	shalt  }
0x75: {  	_ =	shalt  }
0x76: {  	_ =	shalt  }
0x77: {  	_ =	shalt  }
0x78: {  	_ =	shalt  }
0x79: {  	_ =	shalt  }
0x7a: {  	_ =	shalt  }
0x7b: {  	_ =	shalt  }
0x7c: {  	_ =	shalt  }
0x7d: {  	_ =	shalt  }
0x7e: {  	_ =	shalt  }
0x7f: {  	_ =	shalt  }
0x80: {  	_ =	shalt  }
0x81: {  	_ =	shalt  }
0x82: {  	_ =	shalt  }
0x83: {  	_ =	shalt  }
0x84: {  	_ =	shalt  }
0x85: {  	_ =	shalt  }
0x86: {  	_ =	shalt  }
0x87: {  	_ =	shalt  }
.Lfunc_end0:
.L_simem_size_0:
called_computation_lowered:
.L_overlay_start_0:
0x88: {  	s2 =	sld [smem:$0x3FD9]  }
0x89: {  	s3 =	sld [smem:$0x3FFE];
	_ =	sdelay $0x1  }
0x8a: {  	s1 =	srdreg.scid  }
0x8b: {  	s0 =	sand.u32 $0x1, s1  }
0x8c: {  	s14 =	sshll.u32 s0, $0xA;
	s2 =	sadd.s32 s3, s2  }
0x8d: {  	s2 =	sadd.s32 s2, s14  }
0x8e: {  	[smem:$0x3FC4] =	sst s2  }
0x8f: {  	_ = 	snop  }
0x90: {  	s2 =	sld [smem:$0x3FD0];
	_ =	sdelay $0x2  }
0x91: {  	s15 =	simm.s32 $0xA;
	s4 =	simm.s32 $0x10  }
0x92: {  	[smem:s4], [sflag:s15] =	dma.local [hbm:s2], $0x1  }
0x93: {  	_ =	swait.eq [sflag:s15], $0x1  }
0x94: {  	[sflag:s15] =	ssyncset.done $0x0  }
0x95: {  	s16 =	sld [smem:$0x10];
	[sflag:s15] =	ssyncadd.s32 $0xFFFFFFFF  }
0x96: {  	s17 =	sld [smem:$0x11];
	(tm) =	ssettm $0x1  }
0x97: {  	s18 =	sld [smem:$0x3FFB];
	_ =	sdelay $0x3  }
0x98: {  	_ =	strace s18  }
0x99: {  	s4 =	sld [smem:$0x3FFC];
	_ =	sdelay $0x3  }
0x9a: {  	_ =	strace s4  }
0x9b: {  	s4 =	sld [smem:$0x3FFD];
	_ =	sdelay $0x3  }
0x9c: {  	_ =	strace s4  }
0x9d: {  	_ =	strace $0x8FFFFFFF  }
0x9e: {  	s19 =	sld [smem:$0x3FDB];
	_ =	sdelay $0x1  }
0x9f: {  	s5 =	simm.s32 $_scs_section_size  }
0xa0: {  	s6 =	simm.s32 $_size__tile_overlayer_lowered;
	s7 =	simm.s32 $_tile_overlayer_lowered  }
0xa1: {  	s22 =	simm.s32 $0x1BFF;
	s21 =	sshll.u32 s7, $0x1;
	s4 =	sadd.s32 s5, s19  }
0xa2: {  	s8 =	simm.s32 $0x0;
	s20 =	sshll.u32 s6, $0x1;
	s6 =	sadd.s32 s21, s4  }
0xa3: {  	[timem:s8], [sflag:s22] =	dma.local [hbm:s6], s20  }
0xa4: {  	_ =	swait.ge [sflag:s22], s20  }
0xa5: {  	s5 =	ssub.s32 $0x0, s20;
	[sflag:s22] =	ssyncset.done $0x0  }
0xa6: {  	[sflag:s22] =	ssyncadd.s32 s5;
	_ =	sdelay $0x1  }
0xa7: {  	s23 =	simm.s32 $0x1B8B  }
0xa8: {  	_ =	swait.ge [sflag:s23], $0x1  }
0xa9: {  	[sflag:s23] =	ssyncset.done $0x0  }
0xaa: {  	s25 =	simm.s32 $0x1B8E;
	s24 =	sld [smem:$0x3FFE];
	[sflag:s23] =	ssyncadd.s32 $0xFFFFFFFF  }
0xab: {  	s26 =	simm.s32 $execute0_lowered;
	[smem:$0x3FD2] =	sst s25  }
0xac: {  	s6 =	sshll.u32 s26, $0x1;
	_ =	strace $0x80000046;
	[dreg:$0x1] =	wrdreg $0xFFFFFFFF  }
0xad: {  	s28 =	simm.s32 $_size_execute0_lowered;
	s4 =	sadd.s32 s4, s6;
	[dreg:$0x0] =	wrdreg $0x0  }
0xae: {  	s6 =	sshll.u32 s28, $0x1;
	[dreg:$0x2] =	wrdreg s4  }
0xaf: {  	[dreg:$0x3] =	wrdreg s6  }
0xb0: {  	[dreg:$0x4] =	wrdreg $0xC0  }
0xb1: {  	_ =	task [dreg:s8], $0x5FFFF  }
0xb2: {  	[dreg:$0x1] =	wrdreg $0xFFFFFFFF  }
0xb3: {  	[dreg:$0x0] =	wrdreg $0x60  }
0xb4: {  	[dreg:$0x2] =	wrdreg s16  }
0xb5: {  	[dreg:$0x3] =	wrdreg s24  }
0xb6: {  	[dreg:$0x4] =	wrdreg s17  }
0xb7: {  	[dreg:$0x5] =	wrdreg $0x9  }
0xb8: {  	_ =	task.clear_ibuf [dreg:s8], $0x6FFFF;
	_ =	strace $0x90000046  }
0xb9: {  	s29 =	simm.s32 $0x9;
	_ =	strace $0x80000048  }
0xba: {  	_ =	swait.ge [sflag:s29], $0x1  }
0xbb: {  	[sflag:s29] =	ssyncadd.s32 $0xFFFFFFFF  }
0xbc: {  	_ =	strace $0x90000048  }
0xbd: {  	_ =	sfence  }
0xbe: {  	s30 =	sld [smem:$0x0];
	_ =	sdelay $0x2  }
0xbf: {  	s31 =	sshll.u32 s1, $0xD;
	s1 =	sshrl.u32 s1, $0x2  }
0xc0: {  	s3 =	sand.u32 $0x4000, s31;
	s1 =	sadd.s32 s1, s30  }
0xc1: {  	s0 =	sor.u32 s3, s0;
	s1 =	sshll.u32 s1, $0x11  }
0xc2: {  	s0 =	sor.u32 s1, s0  }
0xc3: {  	s0 =	sadd.s32 $0x8F2B, s0  }
0xc4: {  	[sflag:s0] =	ssyncadd.remote.s32 $0x1  }
0xc5: {  	_ =	sfence.sel $0xFFFF  }
0xc6: {  	[dreg:$0x0] =	wrdreg $0xFFFFFFFF;
	(pc) =	sbr.abs _section_cstart, $3  }
0xc7: {  	[dreg:$0x1] =	wrdreg $0xFFFFFFFF  }
0xc8: {  	_ =	task.clear_ibuf [dreg:s8], $0x2FFFF;
	_ =	strace $0x9FFFFFFF  }
0xc9: {  	(tm) =	ssettm $0x7FFFFFFF  }
tec
execute0_lowered:
.L_overlay_start_1:
0x0: {  	(tag) =	ssettag $0x1  }
0x1: {  	s0 =	rddreg [dreg:$0x0]  }
0x2: {  	s4 =	rddreg [dreg:$0x1]  }
0x3: {  	s5 =	rddreg [dreg:$0x2];
	s2 =	srdreg.scid  }
0x4: {  	s1 =	stileid.u32;
	s21 =	simm.s32 $0x880;
	s22 =	simm.s32 $0x1080  }
0x5: {  	s23 =	simm.s32 $0x1880;
	s20 =	simm.s32 $0x2880;
	s15 =	simm.s32 $0x3880  }
0x6: {  	s16 =	simm.s32 $0x4080;
	s17 =	simm.s32 $0x4880;
	s18 =	simm.s32 $0x5080  }
0x7: {  	s19 =	simm.s32 $0x5880;
	p0 =	por $0x0, $0x0;
	s28 =	simm.s32 $0x7080  }
0x8: {  	s30 =	simm.s32 $0x7880;
	s29 =	simm.s32 $0x1;
	s3 =	sand.u32 $0x1, s2  }
0x9: {  	s2 =	simm.s32 $0x0;
	s6 =	sshll.u32 s1, $0x5;
	s9 =	sadd.s32 $0xE00, s4  }
0xa: {  	s10 =	sadd.s32 $0xF00, s4;
	s11 =	sadd.s32 $0x1000, s4;
	s8 =	ssub.s32 $0x2, s3  }
0xb: {  	s12 =	sadd.s32 $0x1100, s4;
	s7 =	sshll.u32 s3, $0x4;
	s24 =	sshrl.u32 s8, $0x1  }
0xc: {  	[smem:$0x7FF] =	sst s2;
	s3 =	sadd.s32 $0xA00, s4;
	s14 =	ssub.s32 s8, s24  }
0xd: {  	s13 =	sor.u32 s7, s6;
	_ =	strace $0x80000047;
	s26 =	smax.u32 s14, $0x1  }
0xe: {  	s6 =	sadd.s32 $0xB00, s4;
	s7 =	sshrl.u32 s13, $0x3;
	p1 =	sne.s32 s26, $0x1  }
.Ltmp0:
0xf: {  	s8 =	sadd.s32 $0xD00, s4;
	s25 =	sshll.u32 s13, $0x8;
	(pc) =	sbr.rel @!p1 .LBB2_3-.Ltmp0, $4  }
0x10: {  	s13 =	simm.s32 $0x80;
	s24 =	simm.s32 $0x2080;
	s0 =	sadd.s32 s0, s7  }
0x11: {  	v2 =	vlaneseq.u32;
	s7 =	sadd.s32 $0xC00, s4;
	s5 =	sadd.s32 s5, s25;
	s4 =	simm.s32 $0x2  }
0x12: {  	vm0 =	vmmov $0xffff;
	v0 =	vshrl.u32 v2, $0x3;
	s14 =	simm.s32 $0x3080;
	s25 =	simm.s32 $0x6080;
	[dreg:$0x4] =	wrdreg s0  }
0x13: {  	v1 =	vand.u32 $0x7, v2;
	v2 =	vor.u32 $0x8, v2;
	v0 =	vmul.u32 $0x8, v0;
	s31 =	sadd.s32 $0xFFFFFFFF, s26;
	s26 =	simm.s32 $0x6880;
	s0 =	rddreg [dreg:$0x4]  }
0x14: {  	[tilespmem:s2], [sflag:$0x2] =	stream.linear.gather [hbm4b:s0+s2], $0x10, $0x38;
	[tilespmem:$0x8080] =	vst v63  }
0x15: {  	_ =	swait.ge [sflag:s4], $0x10  }
0x16: {  	[sflag:s4] =	ssyncset.done $0x0  }
0x17: {  	[sflag:s4] =	ssyncadd.s32 $0xFFFFFFF0  }
0x18: {  	v3 =	vld [tilespmem:$0x0];
	_ =	sdelay $0x4  }
0x19: {  	v4 =	vshll.u32 v3, $0x4  }
0x1a: {  	v3 =	vand.u32 $0x7, v3;
	v4 =	vand.u32 $0xFFFFFF80, v4  }
0x1b: {  	v3 =	vor.u32 v3, v4  }
0x1c: {  	v4 =	vperm.xlane v3, v1;
	_ =	sdelay $0x1  }
0x1d: {  	v4 =	vadd.s32 v0, v4;
	_ =	sdelay $0x4  }
0x1e: {  	[tilespmem:s13], [sflag:$0x1] =	stream.indirect_vreg.gather [hbm4b:s3+s2], $0x80, v4, vm0, $0xb8;
	[tilespmem:$0x8080] =	vst v63  }
0x1f: {  	_ = 	snop  }
0x20: {  	[tilespmem:s21], [sflag:$0x1] =	stream.indirect_vreg.gather [hbm4b:s6+s2], $0x80, v4, vm0, $0xb8;
	[tilespmem:$0x8080] =	vst v63  }
0x21: {  	_ = 	snop  }
0x22: {  	[tilespmem:s22], [sflag:$0x1] =	stream.indirect_vreg.gather [hbm4b:s7+s2], $0x80, v4, vm0, $0xb8;
	[tilespmem:$0x8080] =	vst v63  }
0x23: {  	_ = 	snop  }
0x24: {  	[tilespmem:s23], [sflag:$0x1] =	stream.indirect_vreg.gather [hbm4b:s8+s2], $0x80, v4, vm0, $0xb8;
	[tilespmem:$0x8080] =	vst v63  }
0x25: {  	_ = 	snop  }
0x26: {  	[tilespmem:s24], [sflag:$0x1] =	stream.indirect_vreg.gather [hbm4b:s9+s2], $0x80, v4, vm0, $0xb8;
	[tilespmem:$0x8080] =	vst v63  }
0x27: {  	v3 =	vperm.xlane v3, v2  }
0x28: {  	[tilespmem:s20], [sflag:$0x1] =	stream.indirect_vreg.gather [hbm4b:s10+s2], $0x80, v4, vm0, $0xb8;
	[tilespmem:$0x8080] =	vst v63  }
0x29: {  	v3 =	vadd.s32 v0, v3  }
0x2a: {  	[tilespmem:s14], [sflag:$0x1] =	stream.indirect_vreg.gather [hbm4b:s11+s2], $0x80, v4, vm0, $0xb8;
	[tilespmem:$0x8080] =	vst v63  }
0x2b: {  	_ = 	snop  }
0x2c: {  	[tilespmem:s15], [sflag:$0x1] =	stream.indirect_vreg.gather [hbm4b:s12+s2], $0x80, v4, vm0, $0xb8;
	[tilespmem:$0x8080] =	vst v63  }
0x2d: {  	_ = 	snop  }
0x2e: {  	[tilespmem:s16], [sflag:$0x1] =	stream.indirect_vreg.gather [hbm4b:s3+s2], $0x80, v3, vm0, $0xb8;
	[tilespmem:$0x8080] =	vst v63  }
0x2f: {  	_ = 	snop  }
0x30: {  	[tilespmem:s17], [sflag:$0x1] =	stream.indirect_vreg.gather [hbm4b:s6+s2], $0x80, v3, vm0, $0xb8;
	[tilespmem:$0x8080] =	vst v63  }
0x31: {  	_ = 	snop  }
0x32: {  	[tilespmem:s18], [sflag:$0x1] =	stream.indirect_vreg.gather [hbm4b:s7+s2], $0x80, v3, vm0, $0xb8;
	[tilespmem:$0x8080] =	vst v63  }
0x33: {  	_ = 	snop  }
0x34: {  	[tilespmem:s19], [sflag:$0x1] =	stream.indirect_vreg.gather [hbm4b:s8+s2], $0x80, v3, vm0, $0xb8;
	[tilespmem:$0x8080] =	vst v63  }
0x35: {  	_ = 	snop  }
0x36: {  	[tilespmem:s25], [sflag:$0x1] =	stream.indirect_vreg.gather [hbm4b:s9+s2], $0x80, v3, vm0, $0xb8;
	[tilespmem:$0x8080] =	vst v63  }
0x37: {  	_ = 	snop  }
0x38: {  	[tilespmem:s26], [sflag:$0x1] =	stream.indirect_vreg.gather [hbm4b:s10+s2], $0x80, v3, vm0, $0xb8;
	[tilespmem:$0x8080] =	vst v63  }
0x39: {  	_ = 	snop  }
0x3a: {  	[tilespmem:s28], [sflag:$0x1] =	stream.indirect_vreg.gather [hbm4b:s11+s2], $0x80, v3, vm0, $0xb8;
	[tilespmem:$0x8080] =	vst v63  }
0x3b: {  	_ = 	snop  }
0x3c: {  	[tilespmem:s30], [sflag:$0x1] =	stream.indirect_vreg.gather [hbm4b:s12+s2], $0x80, v3, vm0, $0xb8;
	[tilespmem:$0x8080] =	vst v63  }
0x3d: {  	p1 =	sne.s32 s31, $0x1;
	_ =	swait.ge [sflag:s29], $0x8000  }
.Ltmp1:
0x3e: {  	[sflag:s29] =	ssyncset.done $0x0;
	(pc) =	sbr.rel @!p1 .LBB2_3-.Ltmp1, $4  }
0x3f: {  	[sflag:s29] =	ssyncadd.s32 $0xFFFF8000  }
0x40: {  	[hbm4b:s5+s2] =	stream.linear.scatter [tilespmem:s13], [sflag:$0x2], $0x8000, $0x38;
	[tilespmem:$0x8080] =	vst v63  }
0x41: {  	s31 =	sadd.s32 $0xFFFFFFFF, s31;
	_ =	swait.ge [sflag:s4], $0x8000  }
0x42: {  	p0 =	por $0x1, $0x1;
	s0 =	rddreg [dreg:$0x4];
	[sflag:s4] =	ssyncset.done $0x0  }
.LBB2_2:
0x43: {  	[sflag:s4] =	ssyncadd.s32 $0xFFFF8000  }
0x44: {  	[tilespmem:s2], [sflag:$0x2] =	stream.linear.gather [hbm4b:s0+s2], $0x10, $0x38;
	[tilespmem:$0x8080] =	vst v63  }
0x45: {  	_ =	swait.ge [sflag:s4], $0x10  }
0x46: {  	[sflag:s4] =	ssyncset.done $0x0  }
0x47: {  	[sflag:s4] =	ssyncadd.s32 $0xFFFFFFF0  }
0x48: {  	v3 =	vld [tilespmem:$0x0];
	_ =	sdelay $0x4  }
0x49: {  	v4 =	vshll.u32 v3, $0x4  }
0x4a: {  	v3 =	vand.u32 $0x7, v3;
	v4 =	vand.u32 $0xFFFFFF80, v4  }
0x4b: {  	v3 =	vor.u32 v3, v4  }
0x4c: {  	v4 =	vperm.xlane v3, v1;
	_ =	sdelay $0x1  }
0x4d: {  	v4 =	vadd.s32 v0, v4;
	_ =	sdelay $0x4  }
0x4e: {  	[tilespmem:s13], [sflag:$0x1] =	stream.indirect_vreg.gather [hbm4b:s3+s2], $0x80, v4, vm0, $0xb8;
	[tilespmem:$0x8080] =	vst v63  }
0x4f: {  	_ = 	snop  }
0x50: {  	[tilespmem:s21], [sflag:$0x1] =	stream.indirect_vreg.gather [hbm4b:s6+s2], $0x80, v4, vm0, $0xb8;
	[tilespmem:$0x8080] =	vst v63  }
0x51: {  	_ = 	snop  }
0x52: {  	[tilespmem:s22], [sflag:$0x1] =	stream.indirect_vreg.gather [hbm4b:s7+s2], $0x80, v4, vm0, $0xb8;
	[tilespmem:$0x8080] =	vst v63  }
0x53: {  	_ = 	snop  }
0x54: {  	[tilespmem:s23], [sflag:$0x1] =	stream.indirect_vreg.gather [hbm4b:s8+s2], $0x80, v4, vm0, $0xb8;
	[tilespmem:$0x8080] =	vst v63  }
0x55: {  	_ = 	snop  }
0x56: {  	[tilespmem:s24], [sflag:$0x1] =	stream.indirect_vreg.gather [hbm4b:s9+s2], $0x80, v4, vm0, $0xb8;
	[tilespmem:$0x8080] =	vst v63  }
0x57: {  	v3 =	vperm.xlane v3, v2  }
0x58: {  	[tilespmem:s20], [sflag:$0x1] =	stream.indirect_vreg.gather [hbm4b:s10+s2], $0x80, v4, vm0, $0xb8;
	[tilespmem:$0x8080] =	vst v63  }
0x59: {  	v3 =	vadd.s32 v0, v3  }
0x5a: {  	[tilespmem:s14], [sflag:$0x1] =	stream.indirect_vreg.gather [hbm4b:s11+s2], $0x80, v4, vm0, $0xb8;
	[tilespmem:$0x8080] =	vst v63  }
0x5b: {  	_ = 	snop  }
0x5c: {  	[tilespmem:s15], [sflag:$0x1] =	stream.indirect_vreg.gather [hbm4b:s12+s2], $0x80, v4, vm0, $0xb8;
	[tilespmem:$0x8080] =	vst v63  }
0x5d: {  	_ = 	snop  }
0x5e: {  	[tilespmem:s16], [sflag:$0x1] =	stream.indirect_vreg.gather [hbm4b:s3+s2], $0x80, v3, vm0, $0xb8;
	[tilespmem:$0x8080] =	vst v63  }
0x5f: {  	_ = 	snop  }
0x60: {  	[tilespmem:s17], [sflag:$0x1] =	stream.indirect_vreg.gather [hbm4b:s6+s2], $0x80, v3, vm0, $0xb8;
	[tilespmem:$0x8080] =	vst v63  }
0x61: {  	_ = 	snop  }
0x62: {  	[tilespmem:s18], [sflag:$0x1] =	stream.indirect_vreg.gather [hbm4b:s7+s2], $0x80, v3, vm0, $0xb8;
	[tilespmem:$0x8080] =	vst v63  }
0x63: {  	_ = 	snop  }
0x64: {  	[tilespmem:s19], [sflag:$0x1] =	stream.indirect_vreg.gather [hbm4b:s8+s2], $0x80, v3, vm0, $0xb8;
	[tilespmem:$0x8080] =	vst v63  }
0x65: {  	_ = 	snop  }
0x66: {  	[tilespmem:s25], [sflag:$0x1] =	stream.indirect_vreg.gather [hbm4b:s9+s2], $0x80, v3, vm0, $0xb8;
	[tilespmem:$0x8080] =	vst v63  }
0x67: {  	_ = 	snop  }
0x68: {  	[tilespmem:s26], [sflag:$0x1] =	stream.indirect_vreg.gather [hbm4b:s10+s2], $0x80, v3, vm0, $0xb8;
	[tilespmem:$0x8080] =	vst v63  }
0x69: {  	_ = 	snop  }
0x6a: {  	[tilespmem:s28], [sflag:$0x1] =	stream.indirect_vreg.gather [hbm4b:s11+s2], $0x80, v3, vm0, $0xb8;
	[tilespmem:$0x8080] =	vst v63  }
0x6b: {  	_ = 	snop  }
0x6c: {  	[tilespmem:s30], [sflag:$0x1] =	stream.indirect_vreg.gather [hbm4b:s12+s2], $0x80, v3, vm0, $0xb8;
	[tilespmem:$0x8080] =	vst v63  }
0x6d: {  	p1 =	sne.s32 s31, $0x1;
	_ =	swait.ge [sflag:s29], $0x8000  }
.Ltmp2:
0x6e: {  	[sflag:s29] =	ssyncset.done $0x0;
	(pc) =	sbr.rel @p1 .LBB2_2-.Ltmp2, $4  }
0x6f: {  	[sflag:s29] =	ssyncadd.s32 $0xFFFF8000  }
0x70: {  	[hbm4b:s5+s2] =	stream.linear.scatter [tilespmem:s13], [sflag:$0x2], $0x8000, $0x38;
	[tilespmem:$0x8080] =	vst v63  }
0x71: {  	_ =	swait.ge [sflag:s4], $0x8000  }
0x72: {  	s31 =	sadd.s32 $0xFFFFFFFF, s31;
	s0 =	rddreg [dreg:$0x4];
	[sflag:s4] =	ssyncset.done $0x0  }
.LBB2_3:
0x73: {  	[sflag:s4] =	ssyncadd.s32 @p0 $0xFFFF8000  }
0x74: {  	[tilespmem:s2], [sflag:$0x2] =	stream.linear.gather [hbm4b:s0+s2], $0x10, $0x38;
	[tilespmem:$0x8080] =	vst v63  }
0x75: {  	_ =	swait.ge [sflag:s4], $0x10  }
0x76: {  	[sflag:s4] =	ssyncset.done $0x0  }
0x77: {  	[sflag:s4] =	ssyncadd.s32 $0xFFFFFFF0  }
0x78: {  	v3 =	vld [tilespmem:$0x0];
	_ =	sdelay $0x4  }
0x79: {  	v4 =	vshll.u32 v3, $0x4  }
0x7a: {  	v3 =	vand.u32 $0x7, v3;
	v4 =	vand.u32 $0xFFFFFF80, v4  }
0x7b: {  	v3 =	vor.u32 v3, v4  }
0x7c: {  	v1 =	vperm.xlane v3, v1;
	_ =	sdelay $0x1  }
0x7d: {  	v1 =	vadd.s32 v0, v1;
	_ =	sdelay $0x4  }
0x7e: {  	[tilespmem:s13], [sflag:$0x1] =	stream.indirect_vreg.gather [hbm4b:s3+s2], $0x80, v1, vm0, $0xb8;
	[tilespmem:$0x8080] =	vst v63  }
0x7f: {  	_ = 	snop  }
0x80: {  	[tilespmem:s21], [sflag:$0x1] =	stream.indirect_vreg.gather [hbm4b:s6+s2], $0x80, v1, vm0, $0xb8;
	[tilespmem:$0x8080] =	vst v63  }
0x81: {  	_ = 	snop  }
0x82: {  	[tilespmem:s22], [sflag:$0x1] =	stream.indirect_vreg.gather [hbm4b:s7+s2], $0x80, v1, vm0, $0xb8;
	[tilespmem:$0x8080] =	vst v63  }
0x83: {  	_ = 	snop  }
0x84: {  	[tilespmem:s23], [sflag:$0x1] =	stream.indirect_vreg.gather [hbm4b:s8+s2], $0x80, v1, vm0, $0xb8;
	[tilespmem:$0x8080] =	vst v63  }
0x85: {  	_ = 	snop  }
0x86: {  	[tilespmem:s24], [sflag:$0x1] =	stream.indirect_vreg.gather [hbm4b:s9+s2], $0x80, v1, vm0, $0xb8;
	[tilespmem:$0x8080] =	vst v63  }
0x87: {  	v2 =	vperm.xlane v3, v2  }
0x88: {  	[tilespmem:s20], [sflag:$0x1] =	stream.indirect_vreg.gather [hbm4b:s10+s2], $0x80, v1, vm0, $0xb8;
	[tilespmem:$0x8080] =	vst v63  }
0x89: {  	v63 =	vadd.s32 v0, v2  }
0x8a: {  	[tilespmem:s14], [sflag:$0x1] =	stream.indirect_vreg.gather [hbm4b:s11+s2], $0x80, v1, vm0, $0xb8;
	[tilespmem:$0x8080] =	vst v63  }
0x8b: {  	_ = 	snop  }
0x8c: {  	[tilespmem:s15], [sflag:$0x1] =	stream.indirect_vreg.gather [hbm4b:s12+s2], $0x80, v1, vm0, $0xb8;
	[tilespmem:$0x8080] =	vst v63  }
0x8d: {  	_ = 	snop  }
0x8e: {  	[tilespmem:s16], [sflag:$0x1] =	stream.indirect_vreg.gather [hbm4b:s3+s2], $0x80, v63, vm0, $0xb8;
	[tilespmem:$0x8080] =	vst v63  }
0x8f: {  	_ = 	snop  }
0x90: {  	[tilespmem:s17], [sflag:$0x1] =	stream.indirect_vreg.gather [hbm4b:s6+s2], $0x80, v63, vm0, $0xb8;
	[tilespmem:$0x8080] =	vst v63  }
0x91: {  	_ = 	snop  }
0x92: {  	[tilespmem:s18], [sflag:$0x1] =	stream.indirect_vreg.gather [hbm4b:s7+s2], $0x80, v63, vm0, $0xb8;
	[tilespmem:$0x8080] =	vst v63  }
0x93: {  	_ = 	snop  }
0x94: {  	[tilespmem:s19], [sflag:$0x1] =	stream.indirect_vreg.gather [hbm4b:s8+s2], $0x80, v63, vm0, $0xb8;
	[tilespmem:$0x8080] =	vst v63  }
0x95: {  	_ = 	snop  }
0x96: {  	[tilespmem:s25], [sflag:$0x1] =	stream.indirect_vreg.gather [hbm4b:s9+s2], $0x80, v63, vm0, $0xb8;
	[tilespmem:$0x8080] =	vst v63  }
0x97: {  	_ = 	snop  }
0x98: {  	[tilespmem:s26], [sflag:$0x1] =	stream.indirect_vreg.gather [hbm4b:s10+s2], $0x80, v63, vm0, $0xb8;
	[tilespmem:$0x8080] =	vst v63  }
0x99: {  	_ = 	snop  }
0x9a: {  	[tilespmem:s28], [sflag:$0x1] =	stream.indirect_vreg.gather [hbm4b:s11+s2], $0x80, v63, vm0, $0xb8;
	[tilespmem:$0x8080] =	vst v63  }
0x9b: {  	_ = 	snop  }
0x9c: {  	[tilespmem:s30], [sflag:$0x1] =	stream.indirect_vreg.gather [hbm4b:s12+s2], $0x80, v63, vm0, $0xb8;
	[tilespmem:$0x8080] =	vst v63  }
0x9d: {  	_ =	swait.ge [sflag:s29], $0x8000  }
0x9e: {  	[sflag:s29] =	ssyncset.done $0x0  }
0x9f: {  	[sflag:s29] =	ssyncadd.s32 $0xFFFF8000  }
0xa0: {  	[hbm4b:s5+s2] =	stream.linear.scatter [tilespmem:s13], [sflag:$0x2], $0x8000, $0x38;
	[tilespmem:$0x8080] =	vst v63  }
0xa1: {  	_ =	swait.ge [sflag:s4], $0x8000  }
0xa2: {  	[sflag:s4] =	ssyncset.done $0x0  }
0xa3: {  	[sflag:s4] =	ssyncadd.s32 $0xFFFF8000  }
0xa4: {  	_ =	sfence.sel $0x180000  }
0xa5: {  	[bflag:$0x0] =	sbarrier.arrive $0xFFFF  }
0xa6: {  	_ =	strace $0x90000047  }
0xa7: {  	[bflag:$0x2] =	sbarrier.arrive $0xFFFF  }
0xa8: {  	p0 =	sne.s32 s1, $0x0;
	s0 =	rddreg [dreg:$0x3]  }
0xa9: {  	s0 =	sadd.s32 @!p0 $0x100000, s0  }
0xaa: {  	[sflag:s0] =	ssyncadd.tile.s32 @!p0 $0x1;
	_ =	shalt  }
.Lfunc_end2:
_tile_overlayer_lowered:
.L_overlay_start_2:
0xab: {  	(tag) =	ssettag $0x2  }
0xac: {  	s0 =	rddreg [dreg:$0x0];
	s2 =	stileid.u32  }
0xad: {  	s1 =	rddreg [dreg:$0x1];
	p0 =	sne.s32 s2, $0x0  }
0xae: {  	s3 =	rddreg [dreg:$0x2];
	[bflag:$0x3] =	sbarrier.arrive $0xFFFF;
	s2 =	simm.s32 @!p0 $0x1C02  }
0xaf: {  	[timem:s3], [sflag:s2] =	dma.local @!p0 [hbm:s0], s1  }
0xb0: {  	s0 =	simm.s32 @!p0 $0x2  }
0xb1: {  	_ =	swait.ge @!p0 [sflag:s0], s1  }
0xb2: {  	s1 =	ssub.s32 @!p0 $0x0, s1;
	[sflag:s0] =	ssyncset.done @!p0 $0x0  }
0xb3: {  	[sflag:s0] =	ssyncadd.s32 @!p0 s1  }
0xb4: {  	[bflag:$0x3] =	sbarrier.arrive $0xFFFF  }
0xb5: {  	_ =	shalt  }

</sc_bundles>
